<compile_context>
chip_gen: v7x
topology: tpu7x:2x2x1
jax: 0.10.2.dev20260603
libtpu: 0.0.44.dev20260713+nightly
codegen_flags: <defaults>
</compile_context>

<pallas_src>
import functools

import jax
import jax.numpy as jnp
from jax import lax
from jax.experimental import pallas as pl
from jax.experimental.pallas import tpu as pltpu
from jax.experimental.pallas import tpu_sc as plsc

_B = 1024
_C = 100000
_M = 0.3
_S = 15.0

_BLOCK_C = 4000
_NBLOCKS = _C // _BLOCK_C

_NW = 32
_BPW = _B // _NW
_L = 16


def _tv_gather_body(x_hbm, tgt_hbm, out_hbm, tgt_v, idx_v, val_v, sem):
    wid = lax.axis_index("s") * 2 + lax.axis_index("c")
    base = wid * _BPW
    pltpu.sync_copy(tgt_hbm.at[pl.ds(base, _BPW)], tgt_v)
    lane = lax.iota(jnp.int32, _L)
    for c in range(_BPW // _L):
        r0 = c * _L
        t16 = tgt_v[pl.ds(r0, _L)]
        j16 = base + r0 + lane
        idx_v[pl.ds(r0, _L)] = (
            (t16 >> 3) * 8192
            + (t16 & 7) * 128
            + (j16 >> 7) * 1024
            + (j16 & 127)
        )
    pltpu.async_copy(x_hbm.at[idx_v], val_v, sem).wait()
    pltpu.sync_copy(val_v, out_hbm.at[pl.ds(base, _BPW)])


def _target_gather(x_flat, tgt):
    mesh = plsc.VectorSubcoreMesh(core_axis_name="c", subcore_axis_name="s")
    fn = functools.partial(
        pl.kernel,
        mesh=mesh,
        out_type=jax.ShapeDtypeStruct((_B,), jnp.float32),
        scratch_types=[
            pltpu.VMEM((_BPW,), jnp.int32),
            pltpu.VMEM((_BPW,), jnp.int32),
            pltpu.VMEM((_BPW,), jnp.float32),
            pltpu.SemaphoreType.DMA,
        ],
    )(_tv_gather_body)
    return fn(x_flat, tgt)


def _pass_kernel(x_ref, m_ref, s_ref):
    i = pl.program_id(0)

    @pl.when(i == 0)
    def _init():
        m_ref[...] = jnp.full((1, _B), -jnp.inf, jnp.float32)
        s_ref[...] = jnp.zeros((1, _B), jnp.float32)

    x = x_ref[...]

    bmax = jnp.max(x, axis=0, keepdims=True)
    m_old = m_ref[...]
    m_new = jnp.maximum(m_old, bmax)
    ex = jnp.exp(_S * x - _S * m_new)
    ones = jnp.ones((8, _BLOCK_C), jnp.float32)
    esum = jax.lax.dot_general(
        ones, ex, (((1,), (0,)), ((), ())), preferred_element_type=jnp.float32
    )[0:1]
    s_ref[...] = s_ref[...] * jnp.exp(_S * (m_old - m_new)) + esum
    m_ref[...] = m_new


def _combine_kernel(m_ref, s_ref, tv_ref, o_ref):
    m = m_ref[...]
    s = s_ref[...]
    tv = tv_ref[...]
    s_adj = s - jnp.exp(_S * (tv - m)) + jnp.exp(_S * (tv - _M - m))
    lse = _S * m + jnp.log(s_adj)
    loss = jnp.mean(lse - _S * (tv - _M))
    o_ref[...] = loss.reshape(1, 1)


@jax.jit
def _amsoftmax_loss(inputs, targets):
    xt = inputs.T
    tgt = targets.astype(jnp.int32)
    x_flat = xt.reshape(_C // 8, 8, _B // 128, 128).transpose(0, 2, 1, 3).reshape(-1)
    tv = _target_gather(x_flat, tgt)

    m, s = pl.pallas_call(
        _pass_kernel,
        grid=(_NBLOCKS,),
        in_specs=[pl.BlockSpec((_BLOCK_C, _B), lambda i: (i, 0))],
        out_specs=[
            pl.BlockSpec((1, _B), lambda i: (0, 0)),
            pl.BlockSpec((1, _B), lambda i: (0, 0)),
        ],
        out_shape=[
            jax.ShapeDtypeStruct((1, _B), jnp.float32),
            jax.ShapeDtypeStruct((1, _B), jnp.float32),
        ],
        compiler_params=pltpu.CompilerParams(
            dimension_semantics=("arbitrary",),
        ),
    )(xt)

    out = pl.pallas_call(
        _combine_kernel,
        out_shape=jax.ShapeDtypeStruct((1, 1), jnp.float32),
    )(m, s, tv.reshape(1, _B))
    return out[0, 0]


def kernel(inputs, targets):
    return _amsoftmax_loss(inputs, targets)

# --- scband reference (transcript-rebuilt; emitter-appended) ---
"""Pipeline reference for scband-amsoftmax-loss-24429773980352 (READ-ONLY COPY).

The authoritative reference and input builder live on the scoring server;
editing this copy changes nothing except your own understanding.
"""

import jax, jax.numpy as jnp
import numpy as np

B = 1024
C = 100000
M = 0.3
S = 15.0

def setup_inputs(seed: int = 0) -> dict:
    key = jax.random.key(seed)
    k1, k2 = jax.random.split(key)
    inputs = jax.random.normal(k1, (B, C), dtype=jnp.float32)
    targets = jax.random.randint(k2, (B,), 0, C, dtype=jnp.int64)
    return {"inputs": inputs, "targets": targets}

def reference(inputs, targets):
    # delt_costh: zeros scattered with m at (row, target) positions
    b = inputs.shape[0]
    delt = jnp.zeros_like(inputs).at[jnp.arange(b), targets].set(M)
    costh_m = inputs - delt
    logits = S * costh_m
    # cross entropy with mean reduction
    lse = jax.scipy.special.logsumexp(logits, axis=1)
    tgt_logit = jnp.take_along_axis(logits, targets[:, None], axis=1)[:, 0]
    loss = jnp.mean(lse - tgt_logit)
    return loss

if __name__ == "__main__":
    import jax
    _d = setup_inputs()
    print(jax.jit(kernel)(*tuple(_d.values())))

</pallas_src>

<mosaic_0001>
#map = affine_map<(d0, d1) -> (0)>
module attributes {stable_mosaic.version = 14 : i64} {
  func.func @_tv_gather_body(%arg0: i32, %arg1: i32, %arg2: memref<102400000xf32, #tpu.memory_space<hbm>>, %arg3: memref<1024xi32, #tpu.memory_space<hbm>>, %arg4: memref<1024xf32, #tpu.memory_space<hbm>>, %arg5: memref<32xi32, #tpu.memory_space<vmem>>, %arg6: memref<32xi32, #tpu.memory_space<vmem>>, %arg7: memref<32xf32, #tpu.memory_space<vmem>>, %arg8: memref<!tpu.dma_semaphore, #tpu.memory_space<semaphore_mem>>) attributes {dimension_semantics = [#tpu.dimension_semantics<core_parallel>, #tpu.dimension_semantics<subcore_parallel>], iteration_bounds = array<i64: 2, 16>, scalar_prefetch = 0 : i64, scratch_operands = 4 : i64, tpu.core_type = #tpu.core_type<sc_vector_subcore>, window_params = [{transform_indices = #map}, {transform_indices = #map}, {transform_indices = #map}]} {
    %mul3A = arith.constant 2 : i32
    %mul3A_0 = arith.muli %arg1, %mul3A : i32
    %add3A = arith.addi %mul3A_0, %arg0 : i32
    %mul3A_1 = arith.constant 32 : i32
    %mul3A_2 = arith.muli %add3A, %mul3A_1 : i32
    "tpu.region"() ({
      %run_scoped3A = tpu.sem_alloc : memref<!tpu.dma_semaphore, #tpu.memory_space<semaphore_mem>>
      %dma_start3A_71 = tpu.memref_slice %arg3[%mul3A_2] : memref<1024xi32, #tpu.memory_space<hbm>> -> memref<32xi32, #tpu.memory_space<hbm>>
      %dma_start3A_72 = tpu.memref_slice %arg3[%mul3A_2] : memref<1024xi32, #tpu.memory_space<hbm>> -> memref<32xi32, #tpu.memory_space<hbm>>
      tpu.enqueue_dma source(%dma_start3A_72 : memref<32xi32, #tpu.memory_space<hbm>>) target(%arg5 : memref<32xi32, #tpu.memory_space<vmem>>) target_semaphore(%run_scoped3A : memref<!tpu.dma_semaphore, #tpu.memory_space<semaphore_mem>>)
      %dma_wait3A_73 = tpu.memref_slice %arg3[%mul3A_2] : memref<1024xi32, #tpu.memory_space<hbm>> -> memref<32xi32, #tpu.memory_space<hbm>>
      %dma_wait3A_74 = tpu.memref_slice %arg3[%mul3A_2] : memref<1024xi32, #tpu.memory_space<hbm>> -> memref<32xi32, #tpu.memory_space<hbm>>
      tpu.wait_dma2 semaphore(%run_scoped3A : memref<!tpu.dma_semaphore, #tpu.memory_space<semaphore_mem>>) src(%dma_wait3A_74 : memref<32xi32, #tpu.memory_space<hbm>>) dst(%arg5 : memref<32xi32, #tpu.memory_space<vmem>>)
      tpu.yield
    }) : () -> ()
    %iota3A = tpu.iota {dimensions = array<i32: 0>} : vector<16xi32>
    %get3A = arith.constant 0 : index
    %get3A_3 = tpu.vector_load %arg5[%get3A] {strides = array<i32>} : memref<32xi32, #tpu.memory_space<vmem>>, vector<16xi32>,
    %get3A_4 = vector.shape_cast %get3A_3 : vector<16xi32> to vector<16xi32>
    %add3A_5 = arith.constant 0 : i32
    %add3A_6 = arith.addi %mul3A_2, %add3A_5 : i32
    %add3A_7 = vector.broadcast %add3A_6 : i32 to vector<16xi32>
    %add3A_8 = arith.addi %add3A_7, %iota3A : vector<16xi32>
    %shift_right_arithmetic3A = arith.constant 3 : i32
    %shift_right_arithmetic3A_9 = vector.broadcast %shift_right_arithmetic3A : i32 to vector<16xi32>
    %shift_right_arithmetic3A_10 = arith.shrsi %get3A_4, %shift_right_arithmetic3A_9 : vector<16xi32>
    %mul3A_11 = arith.constant 8192 : i32
    %mul3A_12 = vector.broadcast %mul3A_11 : i32 to vector<16xi32>
    %mul3A_13 = arith.muli %shift_right_arithmetic3A_10, %mul3A_12 : vector<16xi32>
    %and3A = arith.constant 7 : i32
    %and3A_14 = vector.broadcast %and3A : i32 to vector<16xi32>
    %and3A_15 = arith.andi %get3A_4, %and3A_14 : vector<16xi32>
    %mul3A_16 = arith.constant 128 : i32
    %mul3A_17 = vector.broadcast %mul3A_16 : i32 to vector<16xi32>
    %mul3A_18 = arith.muli %and3A_15, %mul3A_17 : vector<16xi32>
    %add3A_19 = arith.addi %mul3A_13, %mul3A_18 : vector<16xi32>
    %shift_right_arithmetic3A_20 = arith.constant 7 : i32
    %shift_right_arithmetic3A_21 = vector.broadcast %shift_right_arithmetic3A_20 : i32 to vector<16xi32>
    %shift_right_arithmetic3A_22 = arith.shrsi %add3A_8, %shift_right_arithmetic3A_21 : vector<16xi32>
    %mul3A_23 = arith.constant 1024 : i32
    %mul3A_24 = vector.broadcast %mul3A_23 : i32 to vector<16xi32>
    %mul3A_25 = arith.muli %shift_right_arithmetic3A_22, %mul3A_24 : vector<16xi32>
    %add3A_26 = arith.addi %add3A_19, %mul3A_25 : vector<16xi32>
    %and3A_27 = arith.constant 127 : i32
    %and3A_28 = vector.broadcast %and3A_27 : i32 to vector<16xi32>
    %and3A_29 = arith.andi %add3A_8, %and3A_28 : vector<16xi32>
    %add3A_30 = arith.addi %add3A_26, %and3A_29 : vector<16xi32>
    %swap3A = arith.constant 0 : index
    %swap3A_31 = tpu.vector_load %arg6[%swap3A] {strides = array<i32>} : memref<32xi32, #tpu.memory_space<vmem>>, vector<16xi32>,
    %swap3A_32 = vector.shape_cast %swap3A_31 : vector<16xi32> to vector<16xi32>
    %swap3A_33 = vector.shape_cast %add3A_30 : vector<16xi32> to vector<16xi32>
    tpu.vector_store %arg6[%swap3A], %swap3A_33 {strides = array<i32>} : memref<32xi32, #tpu.memory_space<vmem>>, vector<16xi32>,
    %get3A_34 = arith.constant 16 : index
    %get3A_35 = tpu.vector_load %arg5[%get3A_34] {strides = array<i32>} : memref<32xi32, #tpu.memory_space<vmem>>, vector<16xi32>,
    %get3A_36 = vector.shape_cast %get3A_35 : vector<16xi32> to vector<16xi32>
    %add3A_37 = arith.constant 16 : i32
    %add3A_38 = arith.addi %mul3A_2, %add3A_37 : i32
    %add3A_39 = vector.broadcast %add3A_38 : i32 to vector<16xi32>
    %add3A_40 = arith.addi %add3A_39, %iota3A : vector<16xi32>
    %shift_right_arithmetic3A_41 = arith.constant 3 : i32
    %shift_right_arithmetic3A_42 = vector.broadcast %shift_right_arithmetic3A_41 : i32 to vector<16xi32>
    %shift_right_arithmetic3A_43 = arith.shrsi %get3A_36, %shift_right_arithmetic3A_42 : vector<16xi32>
    %mul3A_44 = arith.constant 8192 : i32
    %mul3A_45 = vector.broadcast %mul3A_44 : i32 to vector<16xi32>
    %mul3A_46 = arith.muli %shift_right_arithmetic3A_43, %mul3A_45 : vector<16xi32>
    %and3A_47 = arith.constant 7 : i32
    %and3A_48 = vector.broadcast %and3A_47 : i32 to vector<16xi32>
    %and3A_49 = arith.andi %get3A_36, %and3A_48 : vector<16xi32>
    %mul3A_50 = arith.constant 128 : i32
    %mul3A_51 = vector.broadcast %mul3A_50 : i32 to vector<16xi32>
    %mul3A_52 = arith.muli %and3A_49, %mul3A_51 : vector<16xi32>
    %add3A_53 = arith.addi %mul3A_46, %mul3A_52 : vector<16xi32>
    %shift_right_arithmetic3A_54 = arith.constant 7 : i32
    %shift_right_arithmetic3A_55 = vector.broadcast %shift_right_arithmetic3A_54 : i32 to vector<16xi32>
    %shift_right_arithmetic3A_56 = arith.shrsi %add3A_40, %shift_right_arithmetic3A_55 : vector<16xi32>
    %mul3A_57 = arith.constant 1024 : i32
    %mul3A_58 = vector.broadcast %mul3A_57 : i32 to vector<16xi32>
    %mul3A_59 = arith.muli %shift_right_arithmetic3A_56, %mul3A_58 : vector<16xi32>
    %add3A_60 = arith.addi %add3A_53, %mul3A_59 : vector<16xi32>
    %and3A_61 = arith.constant 127 : i32
    %and3A_62 = vector.broadcast %and3A_61 : i32 to vector<16xi32>
    %and3A_63 = arith.andi %add3A_40, %and3A_62 : vector<16xi32>
    %add3A_64 = arith.addi %add3A_60, %and3A_63 : vector<16xi32>
    %swap3A_65 = arith.constant 16 : index
    %swap3A_66 = tpu.vector_load %arg6[%swap3A_65] {strides = array<i32>} : memref<32xi32, #tpu.memory_space<vmem>>, vector<16xi32>,
    %swap3A_67 = vector.shape_cast %swap3A_66 : vector<16xi32> to vector<16xi32>
    %swap3A_68 = vector.shape_cast %add3A_64 : vector<16xi32> to vector<16xi32>
    tpu.vector_store %arg6[%swap3A_65], %swap3A_68 {strides = array<i32>} : memref<32xi32, #tpu.memory_space<vmem>>, vector<16xi32>,
    %dma_start3A = arith.constant 0 : i32
    %dma_start3A_69 = tpu.memref_slice %arg2[%dma_start3A] : memref<102400000xf32, #tpu.memory_space<hbm>> -> memref<102400000xf32, #tpu.memory_space<hbm>>
    tpu.enqueue_indirect_dma source(%dma_start3A_69 : memref<102400000xf32, #tpu.memory_space<hbm>>) target(%arg7 : memref<32xf32, #tpu.memory_space<vmem>>) offsets(%arg6 : memref<32xi32, #tpu.memory_space<vmem>>) semaphore(%arg8 : memref<!tpu.dma_semaphore, #tpu.memory_space<semaphore_mem>>)
    %dma_wait3A = arith.constant 0 : i32
    %dma_wait3A_70 = tpu.memref_slice %arg2[%dma_wait3A] : memref<102400000xf32, #tpu.memory_space<hbm>> -> memref<102400000xf32, #tpu.memory_space<hbm>>
    tpu.wait_indirect_dma semaphore(%arg8 : memref<!tpu.dma_semaphore, #tpu.memory_space<semaphore_mem>>) src(%dma_wait3A_70 : memref<102400000xf32, #tpu.memory_space<hbm>>) dst(%arg7 : memref<32xf32, #tpu.memory_space<vmem>>)
    "tpu.region"() ({
      %run_scoped3A = tpu.sem_alloc : memref<!tpu.dma_semaphore, #tpu.memory_space<semaphore_mem>>
      %dma_start3A_71 = tpu.memref_slice %arg4[%mul3A_2] : memref<1024xf32, #tpu.memory_space<hbm>> -> memref<32xf32, #tpu.memory_space<hbm>>
      %dma_start3A_72 = tpu.memref_slice %arg4[%mul3A_2] : memref<1024xf32, #tpu.memory_space<hbm>> -> memref<32xf32, #tpu.memory_space<hbm>>
      tpu.enqueue_dma source(%arg7 : memref<32xf32, #tpu.memory_space<vmem>>) target(%dma_start3A_72 : memref<32xf32, #tpu.memory_space<hbm>>) target_semaphore(%run_scoped3A : memref<!tpu.dma_semaphore, #tpu.memory_space<semaphore_mem>>)
      %dma_wait3A_73 = tpu.memref_slice %arg4[%mul3A_2] : memref<1024xf32, #tpu.memory_space<hbm>> -> memref<32xf32, #tpu.memory_space<hbm>>
      %dma_wait3A_74 = tpu.memref_slice %arg4[%mul3A_2] : memref<1024xf32, #tpu.memory_space<hbm>> -> memref<32xf32, #tpu.memory_space<hbm>>
      tpu.wait_dma2 semaphore(%run_scoped3A : memref<!tpu.dma_semaphore, #tpu.memory_space<semaphore_mem>>) src(%arg7 : memref<32xf32, #tpu.memory_space<vmem>>) dst(%dma_wait3A_74 : memref<32xf32, #tpu.memory_space<hbm>>)
      tpu.yield
    }) : () -> ()
    return
  }
}

module attributes {stable_mosaic.version = 14 : i64} {
  func.func @_combine_kernel(%arg0: memref<1x1024xf32, #tpu.memory_space<vmem>>, %arg1: memref<1x1024xf32, #tpu.memory_space<vmem>>, %arg2: memref<1x1024xf32, #tpu.memory_space<vmem>>, %arg3: memref<1x1xf32, #tpu.memory_space<vmem>>) attributes {dimension_semantics = [], scalar_prefetch = 0 : i64, scratch_operands = 0 : i64, tpu.core_type = #tpu.core_type<tc>} {
    %get3A = arith.constant 0 : index
    %get3A_0 = arith.constant 0 : index
    %get3A_1 = vector.load %arg0[%get3A, %get3A_0] : memref<1x1024xf32, #tpu.memory_space<vmem>>, vector<1x1024xf32>
    %get3A_2 = arith.constant 0 : index
    %get3A_3 = arith.constant 0 : index
    %get3A_4 = vector.load %arg1[%get3A_2, %get3A_3] : memref<1x1024xf32, #tpu.memory_space<vmem>>, vector<1x1024xf32>
    %get3A_5 = arith.constant 0 : index
    %get3A_6 = arith.constant 0 : index
    %get3A_7 = vector.load %arg2[%get3A_5, %get3A_6] : memref<1x1024xf32, #tpu.memory_space<vmem>>, vector<1x1024xf32>
    %sub3A = arith.subf %get3A_7, %get3A_1 : vector<1x1024xf32>
    %mul3A = arith.constant 1.500000e+01 : f32
    %mul3A_8 = vector.broadcast %mul3A : f32 to vector<1x1024xf32>
    %mul3A_9 = arith.mulf %mul3A_8, %sub3A : vector<1x1024xf32>
    %exp3A = math.exp %mul3A_9 : vector<1x1024xf32>
    %sub3A_10 = arith.subf %get3A_4, %exp3A : vector<1x1024xf32>
    %sub3A_11 = arith.constant 3.000000e-01 : f32
    %sub3A_12 = vector.broadcast %sub3A_11 : f32 to vector<1x1024xf32>
    %sub3A_13 = arith.subf %get3A_7, %sub3A_12 : vector<1x1024xf32>
    %sub3A_14 = arith.subf %sub3A_13, %get3A_1 : vector<1x1024xf32>
    %mul3A_15 = arith.constant 1.500000e+01 : f32
    %mul3A_16 = vector.broadcast %mul3A_15 : f32 to vector<1x1024xf32>
    %mul3A_17 = arith.mulf %mul3A_16, %sub3A_14 : vector<1x1024xf32>
    %exp3A_18 = math.exp %mul3A_17 : vector<1x1024xf32>
    %add3A = arith.addf %sub3A_10, %exp3A_18 : vector<1x1024xf32>
    %mul3A_19 = arith.constant 1.500000e+01 : f32
    %mul3A_20 = vector.broadcast %mul3A_19 : f32 to vector<1x1024xf32>
    %mul3A_21 = arith.mulf %mul3A_20, %get3A_1 : vector<1x1024xf32>
    %log3A = math.log %add3A : vector<1x1024xf32>
    %add3A_22 = arith.addf %mul3A_21, %log3A : vector<1x1024xf32>
    %sub3A_23 = arith.constant 3.000000e-01 : f32
    %sub3A_24 = vector.broadcast %sub3A_23 : f32 to vector<1x1024xf32>
    %sub3A_25 = arith.subf %get3A_7, %sub3A_24 : vector<1x1024xf32>
    %mul3A_26 = arith.constant 1.500000e+01 : f32
    %mul3A_27 = vector.broadcast %mul3A_26 : f32 to vector<1x1024xf32>
    %mul3A_28 = arith.mulf %mul3A_27, %sub3A_25 : vector<1x1024xf32>
    %sub3A_29 = arith.subf %add3A_22, %mul3A_28 : vector<1x1024xf32>
    %reduce_sum3A = vector.shape_cast %sub3A_29 : vector<1x1024xf32> to vector<1x1x1024xf32>
    %reduce_sum3A_30 = arith.constant dense<0.000000e+00> : vector<1xf32>
    %reduce_sum3A_31 = vector.multi_reduction <add>, %reduce_sum3A, %reduce_sum3A_30 [1, 2] : vector<1x1x1024xf32> to vector<1xf32>
    %reduce_sum3A_32 = vector.shape_cast %reduce_sum3A_31 : vector<1xf32> to vector<1x1x1xf32>
    %reduce_sum3A_33 = vector.extract %reduce_sum3A_32[0, 0, 0] : f32 from vector<1x1x1xf32>
    %div3A = arith.constant 1.024000e+03 : f32
    %div3A_34 = arith.divf %reduce_sum3A_33, %div3A : f32
    %reshape3A = vector.broadcast %div3A_34 : f32 to vector<1x1xf32>
    %swap3A = arith.constant 0 : index
    %swap3A_35 = arith.constant 0 : index
    %swap3A_36 = vector.load %arg3[%swap3A, %swap3A_35] : memref<1x1xf32, #tpu.memory_space<vmem>>, vector<1x1xf32>
    tpu.vector_store %arg3[%swap3A, %swap3A_35], %reshape3A {strides = array<i32>} : memref<1x1xf32, #tpu.memory_space<vmem>>, vector<1x1xf32>,
    return
  }
}

module attributes {stable_mosaic.version = 14 : i64} {
  func.func @_pass_kernel(%arg0: i32, %arg1: memref<4000x1024xf32, #tpu.memory_space<vmem>>, %arg2: memref<1x1024xf32, #tpu.memory_space<vmem>>, %arg3: memref<1x1024xf32, #tpu.memory_space<vmem>>) attributes {dimension_semantics = [#tpu.dimension_semantics<arbitrary>], iteration_bounds = array<i64: 25>, scalar_prefetch = 0 : i64, scratch_operands = 0 : i64, tpu.core_type = #tpu.core_type<tc>, window_params = [{transform_indices = @transform_0, window_bounds = array<i64: 4000, 1024>}, {pipeline_mode = #tpu.pipeline_mode<synchronous>, transform_indices = @transform_1, window_bounds = array<i64: 1, 1024>}, {pipeline_mode = #tpu.pipeline_mode<synchronous>, transform_indices = @transform_2, window_bounds = array<i64: 1, 1024>}]} {
    %eq3A = arith.constant 0 : i32
    %eq3A_0 = arith.cmpi eq, %arg0, %eq3A : i32
    %convert_element_type3A = arith.extui %eq3A_0 : i1 to i32
    %cond3A = arith.constant 0 : i32
    %cond3A_1 = arith.cmpi ne, %convert_element_type3A, %cond3A : i32
    scf.if %cond3A_1 {
      %broadcast_in_dim3A_31 = arith.constant 0xFF800000 : f32
      %broadcast_in_dim3A_32 = vector.broadcast %broadcast_in_dim3A_31 : f32 to vector<1x1024xf32>
      %swap3A_33 = arith.constant 0 : index
      %swap3A_34 = arith.constant 0 : index
      %swap3A_35 = vector.load %arg2[%swap3A_33, %swap3A_34] : memref<1x1024xf32, #tpu.memory_space<vmem>>, vector<1x1024xf32>
      tpu.vector_store %arg2[%swap3A_33, %swap3A_34], %broadcast_in_dim3A_32 {strides = array<i32>} : memref<1x1024xf32, #tpu.memory_space<vmem>>, vector<1x1024xf32>,
      %broadcast_in_dim3A_36 = arith.constant 0.000000e+00 : f32
      %broadcast_in_dim3A_37 = vector.broadcast %broadcast_in_dim3A_36 : f32 to vector<1x1024xf32>
      %swap3A_38 = arith.constant 0 : index
      %swap3A_39 = arith.constant 0 : index
      %swap3A_40 = vector.load %arg3[%swap3A_38, %swap3A_39] : memref<1x1024xf32, #tpu.memory_space<vmem>>, vector<1x1024xf32>
      tpu.vector_store %arg3[%swap3A_38, %swap3A_39], %broadcast_in_dim3A_37 {strides = array<i32>} : memref<1x1024xf32, #tpu.memory_space<vmem>>, vector<1x1024xf32>,
    } else {
    }
    %get3A = arith.constant 0 : index
    %get3A_2 = arith.constant 0 : index
    %get3A_3 = vector.load %arg1[%get3A, %get3A_2] : memref<4000x1024xf32, #tpu.memory_space<vmem>>, vector<4000x1024xf32>
    %reduce_max3A = arith.constant dense<0xFF800000> : vector<1024xf32>
    %reduce_max3A_4 = vector.multi_reduction <maximumf>, %get3A_3, %reduce_max3A [0] : vector<4000x1024xf32> to vector<1024xf32>
    %broadcast_in_dim3A = vector.shape_cast %reduce_max3A_4 : vector<1024xf32> to vector<1x1024xf32>
    %get3A_5 = arith.constant 0 : index
    %get3A_6 = arith.constant 0 : index
    %get3A_7 = vector.load %arg2[%get3A_5, %get3A_6] : memref<1x1024xf32, #tpu.memory_space<vmem>>, vector<1x1024xf32>
    %max3A = arith.maximumf %get3A_7, %broadcast_in_dim3A : vector<1x1024xf32>
    %mul3A = arith.constant 1.500000e+01 : f32
    %mul3A_8 = vector.broadcast %mul3A : f32 to vector<4000x1024xf32>
    %mul3A_9 = arith.mulf %mul3A_8, %get3A_3 : vector<4000x1024xf32>
    %mul3A_10 = arith.constant 1.500000e+01 : f32
    %mul3A_11 = vector.broadcast %mul3A_10 : f32 to vector<1x1024xf32>
    %mul3A_12 = arith.mulf %mul3A_11, %max3A : vector<1x1024xf32>
    %sub3A = vector.broadcast %mul3A_12 : vector<1x1024xf32> to vector<4000x1024xf32>
    %sub3A_13 = arith.subf %mul3A_9, %sub3A : vector<4000x1024xf32>
    %exp3A = math.exp %sub3A_13 : vector<4000x1024xf32>
    %broadcast_in_dim3A_14 = arith.constant 1.000000e+00 : f32
    %broadcast_in_dim3A_15 = vector.broadcast %broadcast_in_dim3A_14 : f32 to vector<8x4000xf32>
    %dot_general3A = arith.constant dense<0.000000e+00> : vector<8x1024xf32>
    %dot_general3A_16 = tpu.matmul %broadcast_in_dim3A_15, %exp3A, %dot_general3A {dimension_numbers = #tpu.dot_dimension_numbers<[1], [0], [0], [1], [0, 0, 1, 1], [], []>, transpose_lhs_hint = false} : vector<8x4000xf32>, vector<4000x1024xf32>, vector<8x1024xf32> -> vector<8x1024xf32>
    %slice3A = vector.extract_strided_slice %dot_general3A_16 {offsets = [0, 0], sizes = [1, 1024], strides = [1, 1]} : vector<8x1024xf32> to vector<1x1024xf32>
    %get3A_17 = arith.constant 0 : index
    %get3A_18 = arith.constant 0 : index
    %get3A_19 = vector.load %arg3[%get3A_17, %get3A_18] : memref<1x1024xf32, #tpu.memory_space<vmem>>, vector<1x1024xf32>
    %sub3A_20 = arith.subf %get3A_7, %max3A : vector<1x1024xf32>
    %mul3A_21 = arith.constant 1.500000e+01 : f32
    %mul3A_22 = vector.broadcast %mul3A_21 : f32 to vector<1x1024xf32>
    %mul3A_23 = arith.mulf %mul3A_22, %sub3A_20 : vector<1x1024xf32>
    %exp3A_24 = math.exp %mul3A_23 : vector<1x1024xf32>
    %mul3A_25 = arith.mulf %get3A_19, %exp3A_24 : vector<1x1024xf32>
    %add3A = arith.addf %mul3A_25, %slice3A : vector<1x1024xf32>
    %swap3A = arith.constant 0 : index
    %swap3A_26 = arith.constant 0 : index
    %swap3A_27 = vector.load %arg3[%swap3A, %swap3A_26] : memref<1x1024xf32, #tpu.memory_space<vmem>>, vector<1x1024xf32>
    tpu.vector_store %arg3[%swap3A, %swap3A_26], %add3A {strides = array<i32>} : memref<1x1024xf32, #tpu.memory_space<vmem>>, vector<1x1024xf32>,
    %swap3A_28 = arith.constant 0 : index
    %swap3A_29 = arith.constant 0 : index
    %swap3A_30 = vector.load %arg2[%swap3A_28, %swap3A_29] : memref<1x1024xf32, #tpu.memory_space<vmem>>, vector<1x1024xf32>
    tpu.vector_store %arg2[%swap3A_28, %swap3A_29], %max3A {strides = array<i32>} : memref<1x1024xf32, #tpu.memory_space<vmem>>, vector<1x1024xf32>,
    return
  }
  func.func @transform_0(%arg0: i32) -> (i32, i32) {
    %c0_i32 = arith.constant 0 : i32
    %c0_i32_0 = arith.constant 0 : i32
    return %arg0, %c0_i32 : i32, i32
  }
  func.func @transform_1(%arg0: i32) -> (i32, i32) {
    %c0_i32 = arith.constant 0 : i32
    %c0_i32_0 = arith.constant 0 : i32
    %c0_i32_1 = arith.constant 0 : i32
    return %c0_i32, %c0_i32_0 : i32, i32
  }
  func.func @transform_2(%arg0: i32) -> (i32, i32) {
    %c0_i32 = arith.constant 0 : i32
    %c0_i32_0 = arith.constant 0 : i32
    %c0_i32_1 = arith.constant 0 : i32
    return %c0_i32, %c0_i32_0 : i32, i32
  }
}

</mosaic_0001>

<sc_bundles>
// kernel: _amsoftmax_loss.5.cloned.1.call-start
scs
__scs_entry_jumppad:
0x0: {  	(pc) =	sbr.rel $0x88, $3  }
0x1: {  	(tag) =	ssettag $0x0;
	lr =	simm.s32 $0x1  }
0x2: {  	[smem:$0x3F9F] =	sst lr;
	_ =	strace $0xD0000000  }
0x3: {  	_ = 	snop  }
0x4: {  	_ = 	snop  }
0x5: {  	_ = 	snop  }
0x6: {  	_ = 	snop  }
0x7: {  	_ = 	snop  }
__scs_overlays_trampoline_lowered:
0x8: {  	[smem:$0x3FAE] =	sst s0  }
0x9: {  	[smem:$0x3FAF] =	sst s1  }
0xa: {  	[smem:$0x3FB0] =	sst s2  }
0xb: {  	[smem:$0x3FB1] =	sst s3  }
0xc: {  	[smem:$0x3FB2] =	sst s4  }
0xd: {  	[smem:$0x3FB3] =	sst s5  }
0xe: {  	[smem:$0x3FB4] =	sst s6  }
0xf: {  	[smem:$0x3FB5] =	sst s7  }
0x10: {  	[smem:$0x3FB6] =	sst s8  }
0x11: {  	[smem:$0x3FB7] =	sst s9;
	s0 =	simm.s32 @!p0 $0x0  }
0x12: {  	s1 =	sld [smem:$0x3F9D];
	s0 =	simm.s32 @p0 $0x1  }
0x13: {  	[smem:$0x3FB8] =	sst s0;
	s0 =	simm.s32 @!p1 $0x0  }
0x14: {  	s2 =	sld [smem:$0x3F9C];
	s0 =	simm.s32 @p1 $0x1  }
0x15: {  	[smem:$0x3FB9] =	sst s0;
	s0 =	simm.s32 @!p2 $0x0  }
0x16: {  	s3 =	sld [smem:$0x3FDB];
	s0 =	simm.s32 @p2 $0x1  }
0x17: {  	s4 =	simm.s32 $0x1BF5;
	[smem:$0x3FBB] =	sst s0  }
0x18: {  	s0 =	sld [smem:$0x3F9E];
	_ =	swait.ge [sflag:s4], $0x0  }
0x19: {  	s7 =	sld [smem:$0x3F9F]  }
0x1a: {  	s8 =	sadd.s32 $0xFFFFE003, lr  }
0x1b: {  	s9 =	sadd.s32 $0xFFFFFEF7, lr;
	s5 =	simm.s32 $0xFFFFFFFF;
	p2 =	slt.u32 s8, $0xFFFFF086  }
0x1c: {  	p1 =	slt.u32 s9, $0xF7A;
	s5 =	simm.s32 @!p2 $0x0  }
0x1d: {  	s5 =	simm.s32 @p1 $0x1;
	p0 =	seq.s32 s7, s2  }
0x1e: {  	s7 =	smul.u32 @!p0 $0xF7A, s2;
	p2 =	seq.s32 @!p0 s5, $0x0  }
0x1f: {  	s9 =	smul.u32 $0xF7A, s1;
	s8 =	simm.s32 @!p0 $0x1BF5;
	p2 =	por !p2, p0  }
0x20: {  	[sflag:s8] =	ssyncset.s32 @!p0 $0xFFFFF086;
	s6 =	sadd.s32 @!p0 s3, s7;
	s7 =	simm.s32 @!p0 $0x108  }
0x21: {  	s3 =	sadd.s32 s3, s9;
	s6 =	sadd.s32 @!p0 $0x88, s6;
	s7 =	simm.s32 @p2 $0x1082  }
0x22: {  	[simem:s7], [sflag:s8] =	dma.local @!p0 [hbm:s6], $0xF7A  }
0x23: {  	s9 =	sor.u32 $0xD0000000, s2;
	s6 =	simm.s32 $0x108;
	_ =	swait.ge @!p0 [sflag:s8], $0x0  }
0x24: {  	s3 =	sadd.s32 $0x88, s3;
	s6 =	simm.s32 @!p1 $0x1082;
	[sflag:s4] =	ssyncset.s32 $0xFFFFF086  }
0x25: {  	[simem:s6], [sflag:s4] =	dma.local [hbm:s3], $0xF7A  }
0x26: {  	[smem:$0x3F9F] =	sst s1;
	(tag) =	ssettag s2;
	_ =	strace s9  }
0x27: {  	s1 =	sld [smem:$0x3FAF]  }
0x28: {  	s2 =	sld [smem:$0x3FB0]  }
0x29: {  	s4 =	sld [smem:$0x3FB2]  }
0x2a: {  	p0 =	seq.s32 s5, $0x0;
	s5 =	sld [smem:$0x3FB3]  }
0x2b: {  	s6 =	sld [smem:$0x3FB4]  }
0x2c: {  	s7 =	sld [smem:$0x3FB5]  }
0x2d: {  	s3 =	simm.s32 $0x108;
	s8 =	sld [smem:$0x3FB6]  }
0x2e: {  	s3 =	simm.s32 @!p0 $0x1082;
	s9 =	sld [smem:$0x3FB7]  }
0x2f: {  	lr =	sadd.s32 s0, s3;
	s0 =	sld [smem:$0x3FAE]  }
0x30: {  	s3 =	sld [smem:$0x3FB1]  }
0x31: {  	[smem:$0x3FBA] =	sst s10  }
0x32: {  	s10 =	sld [smem:$0x3FB8];
	_ =	sdelay $0x3  }
0x33: {  	p0 =	seq.s32 s10, $0x1;
	s10 =	sld [smem:$0x3FBA];
	_ =	sdelay $0x3  }
0x34: {  	[smem:$0x3FBA] =	sst s10  }
0x35: {  	s10 =	sld [smem:$0x3FB9];
	_ =	sdelay $0x3  }
0x36: {  	p1 =	seq.s32 s10, $0x1;
	s10 =	sld [smem:$0x3FBA];
	_ =	sdelay $0x3  }
0x37: {  	[smem:$0x3FBA] =	sst s10  }
0x38: {  	s10 =	sld [smem:$0x3FBB]  }
0x39: {  	_ = 	snop;
	(pc) =	sbr.ind lr, $3  }
0x3a: {  	_ = 	snop  }
0x3b: {  	_ = 	snop  }
0x3c: {  	p2 =	seq.s32 s10, $0x1;
	s10 =	sld [smem:$0x3FBA]  }
0x3d: {  	_ =	shalt  }
0x3e: {  	_ =	shalt  }
0x3f: {  	_ =	shalt  }
0x40: {  	_ =	shalt  }
0x41: {  	_ =	shalt  }
0x42: {  	_ =	shalt  }
0x43: {  	_ =	shalt  }
0x44: {  	_ =	shalt  }
0x45: {  	_ =	shalt  }
0x46: {  	_ =	shalt  }
0x47: {  	_ =	shalt  }
0x48: {  	_ =	shalt  }
0x49: {  	_ =	shalt  }
0x4a: {  	_ =	shalt  }
0x4b: {  	_ =	shalt  }
0x4c: {  	_ =	shalt  }
0x4d: {  	_ =	shalt  }
0x4e: {  	_ =	shalt  }
0x4f: {  	_ =	shalt  }
0x50: {  	_ =	shalt  }
0x51: {  	_ =	shalt  }
0x52: {  	_ =	shalt  }
0x53: {  	_ =	shalt  }
0x54: {  	_ =	shalt  }
0x55: {  	_ =	shalt  }
0x56: {  	_ =	shalt  }
0x57: {  	_ =	shalt  }
0x58: {  	_ =	shalt  }
0x59: {  	_ =	shalt  }
0x5a: {  	_ =	shalt  }
0x5b: {  	_ =	shalt  }
0x5c: {  	_ =	shalt  }
0x5d: {  	_ =	shalt  }
0x5e: {  	_ =	shalt  }
0x5f: {  	_ =	shalt  }
0x60: {  	_ =	shalt  }
0x61: {  	_ =	shalt  }
0x62: {  	_ =	shalt  }
0x63: {  	_ =	shalt  }
0x64: {  	_ =	shalt  }
0x65: {  	_ =	shalt  }
0x66: {  	_ =	shalt  }
0x67: {  	_ =	shalt  }
0x68: {  	_ =	shalt  }
0x69: {  	_ =	shalt  }
0x6a: {  	_ =	shalt  }
0x6b: {  	_ =	shalt  }
0x6c: {  	_ =	shalt  }
0x6d: {  	_ =	shalt  }
0x6e: {  	_ =	shalt  }
0x6f: {  	_ =	shalt  }
0x70: {  	_ =	shalt  }
0x71: {  	_ =	shalt  }
0x72: {  	_ =	shalt  }
0x73: {  	_ =	shalt  }
0x74: {  	_ =	shalt  }
0x75: {  	_ =	shalt  }
0x76: {  	_ =	shalt  }
0x77: {  	_ =	shalt  }
0x78: {  	_ =	shalt  }
0x79: {  	_ =	shalt  }
0x7a: {  	_ =	shalt  }
0x7b: {  	_ =	shalt  }
0x7c: {  	_ =	shalt  }
0x7d: {  	_ =	shalt  }
0x7e: {  	_ =	shalt  }
0x7f: {  	_ =	shalt  }
0x80: {  	_ =	shalt  }
0x81: {  	_ =	shalt  }
0x82: {  	_ =	shalt  }
0x83: {  	_ =	shalt  }
0x84: {  	_ =	shalt  }
0x85: {  	_ =	shalt  }
0x86: {  	_ =	shalt  }
0x87: {  	_ =	shalt  }
.Lfunc_end0:
.L_simem_size_0:
called_computation_lowered:
.L_overlay_start_0:
0x88: {  	s2 =	sld [smem:$0x3FD9]  }
0x89: {  	s3 =	sld [smem:$0x3FFE];
	_ =	sdelay $0x1  }
0x8a: {  	s1 =	srdreg.scid  }
0x8b: {  	s0 =	sand.u32 $0x1, s1  }
0x8c: {  	s17 =	sshll.u32 s0, $0xA;
	s2 =	sadd.s32 s3, s2  }
0x8d: {  	s2 =	sadd.s32 s2, s17  }
0x8e: {  	[smem:$0x3FC6] =	sst s2  }
0x8f: {  	_ = 	snop  }
0x90: {  	s2 =	sld [smem:$0x3FC9]  }
0x91: {  	s18 =	sld [smem:$0x3FC8];
	(tm) =	ssettm $0x1  }
0x92: {  	s4 =	sld [smem:$0x3FFB];
	_ =	sdelay $0x3  }
0x93: {  	_ =	strace s4  }
0x94: {  	s4 =	sld [smem:$0x3FFC];
	_ =	sdelay $0x3  }
0x95: {  	_ =	strace s4  }
0x96: {  	s4 =	sld [smem:$0x3FFD];
	_ =	sdelay $0x3  }
0x97: {  	_ =	strace s4  }
0x98: {  	_ =	strace $0x8FFFFFFF  }
0x99: {  	s19 =	sld [smem:$0x3FDB];
	_ =	sdelay $0x1  }
0x9a: {  	s5 =	simm.s32 $_scs_section_size  }
0x9b: {  	s6 =	simm.s32 $_size__tile_overlayer_lowered;
	s7 =	simm.s32 $_tile_overlayer_lowered  }
0x9c: {  	s22 =	simm.s32 $0x1BFF;
	s21 =	sshll.u32 s7, $0x1;
	s4 =	sadd.s32 s5, s19  }
0x9d: {  	s8 =	simm.s32 $0x0;
	s20 =	sshll.u32 s6, $0x1;
	s6 =	sadd.s32 s21, s4  }
0x9e: {  	[timem:s8], [sflag:s22] =	dma.local [hbm:s6], s20  }
0x9f: {  	_ =	swait.ge [sflag:s22], s20  }
0xa0: {  	s5 =	ssub.s32 $0x0, s20;
	[sflag:s22] =	ssyncset.done $0x0  }
0xa1: {  	[sflag:s22] =	ssyncadd.s32 s5;
	_ =	sdelay $0x1  }
0xa2: {  	s23 =	simm.s32 $0x1B8B  }
0xa3: {  	_ =	swait.ge [sflag:s23], $0x1  }
0xa4: {  	[sflag:s23] =	ssyncset.done $0x0  }
0xa5: {  	s25 =	simm.s32 $0x1B8E;
	s24 =	sld [smem:$0x3FFE];
	[sflag:s23] =	ssyncadd.s32 $0xFFFFFFFF  }
0xa6: {  	s26 =	simm.s32 $execute0_lowered;
	[smem:$0x3FD2] =	sst s25  }
0xa7: {  	s6 =	sshll.u32 s26, $0x1;
	_ =	strace $0x80000046;
	[dreg:$0x1] =	wrdreg $0xFFFFFFFF  }
0xa8: {  	s28 =	simm.s32 $_size_execute0_lowered;
	s4 =	sadd.s32 s4, s6;
	[dreg:$0x0] =	wrdreg $0x0  }
0xa9: {  	s6 =	sshll.u32 s28, $0x1;
	[dreg:$0x2] =	wrdreg s4  }
0xaa: {  	[dreg:$0x3] =	wrdreg s6  }
0xab: {  	[dreg:$0x4] =	wrdreg $0xC0  }
0xac: {  	_ =	task [dreg:s8], $0x5FFFF  }
0xad: {  	[dreg:$0x1] =	wrdreg $0xFFFFFFFF  }
0xae: {  	[dreg:$0x0] =	wrdreg $0x60  }
0xaf: {  	[dreg:$0x2] =	wrdreg s2  }
0xb0: {  	[dreg:$0x3] =	wrdreg s18  }
0xb1: {  	[dreg:$0x4] =	wrdreg s24  }
0xb2: {  	[dreg:$0x5] =	wrdreg $0x9  }
0xb3: {  	_ =	task.clear_ibuf [dreg:s8], $0x6FFFF;
	_ =	strace $0x90000046  }
0xb4: {  	s29 =	simm.s32 $0x9;
	_ =	strace $0x80000048  }
0xb5: {  	_ =	swait.ge [sflag:s29], $0x1  }
0xb6: {  	[sflag:s29] =	ssyncadd.s32 $0xFFFFFFFF  }
0xb7: {  	_ =	strace $0x90000048  }
0xb8: {  	_ =	sfence  }
0xb9: {  	s30 =	sld [smem:$0x0];
	_ =	sdelay $0x2  }
0xba: {  	s31 =	sshll.u32 s1, $0xD;
	s1 =	sshrl.u32 s1, $0x2  }
0xbb: {  	s3 =	sand.u32 $0x4000, s31;
	s1 =	sadd.s32 s1, s30  }
0xbc: {  	s0 =	sor.u32 s3, s0;
	s1 =	sshll.u32 s1, $0x11  }
0xbd: {  	s0 =	sor.u32 s1, s0  }
0xbe: {  	s0 =	sadd.s32 $0x8F2B, s0  }
0xbf: {  	[sflag:s0] =	ssyncadd.remote.s32 $0x1  }
0xc0: {  	_ =	sfence.sel $0xFFFF  }
0xc1: {  	[dreg:$0x0] =	wrdreg $0xFFFFFFFF;
	(pc) =	sbr.abs _section_cstart, $3  }
0xc2: {  	[dreg:$0x1] =	wrdreg $0xFFFFFFFF  }
0xc3: {  	_ =	task.clear_ibuf [dreg:s8], $0x2FFFF;
	_ =	strace $0x9FFFFFFF  }
0xc4: {  	(tm) =	ssettm $0x7FFFFFFF  }
0xc5: {  	_ =	shalt  }
tec
execute0_lowered:
.L_overlay_start_1:
0x0: {  	(tag) =	ssettag $0x1  }
0x1: {  	s2 =	rddreg [dreg:$0x0];
	s1 =	srdreg.scid  }
0x2: {  	s4 =	rddreg [dreg:$0x1];
	s0 =	stileid.u32;
	s6 =	sand.u32 $0x1, s1  }
0x3: {  	s10 =	rddreg [dreg:$0x2];
	s5 =	sshll.u32 s0, $0x6;
	s7 =	sshll.u32 s6, $0x5  }
0x4: {  	s3 =	simm.s32 $0x0;
	s1 =	rddreg [dreg:$0x3];
	s7 =	sor.u32 s7, s5  }
0x5: {  	[smem:$0x7FF] =	sst s3;
	s11 =	sshrl.u32 s7, $0x3  }
0x6: {  	_ =	strace $0x80000047;
	s5 =	sadd.s32 s4, s11;
	s4 =	simm.s32 $0x2  }
0x7: {  	[tilespmem:s3], [sflag:$0x2] =	stream.linear.gather [hbm4b:s5+s3], $0x20, $0x38;
	[tilespmem:$0x180] =	vst v63  }
0x8: {  	_ =	swait.ge [sflag:s4], $0x20  }
0x9: {  	[sflag:s4] =	ssyncset.done $0x0  }
0xa: {  	[sflag:s4] =	ssyncadd.s32 $0xFFFFFFE0  }
0xb: {  	v1 =	vlaneseq.u32;
	v2 =	vld [tilespmem:$0x0]  }
0xc: {  	v0 =	vmov s7;
	s8 =	sor.u32 $0x10, s7;
	v4 =	vor.u32 s7, v1;
	v3 =	vld [tilespmem:$0x10]  }
0xd: {  	v0 =	vshll.u32 v0, $0x3;
	v5 =	vmov s8;
	v4 =	vand.u32 $0x6F, v4  }
0xe: {  	v1 =	vor.u32 s8, v1;
	v0 =	vand.u32 $0x1C00, v0;
	v5 =	vshll.u32 v5, $0x3  }
0xf: {  	v1 =	vand.u32 $0x7F, v1;
	v0 =	vor.u32 v0, v4;
	v60 =	vand.u32 $0x7FFFFC00, v5  }
0x10: {  	v1 =	vor.u32 v60, v1;
	v61 =	vshll.u32 v2, $0xA;
	v2 =	vshll.u32 v2, $0x7  }
0x11: {  	s12 =	ssub.s32 $0x2, s6;
	v62 =	vshll.u32 v3, $0xA;
	v3 =	vshll.u32 v3, $0x7;
	v2 =	vand.u32 $0x380, v2  }
0x12: {  	s13 =	sshrl.u32 s12, $0x1;
	v4 =	vand.u32 $0xFFFFE000, v61;
	v3 =	vand.u32 $0x380, v3;
	v2 =	vor.u32 v2, v0  }
0x13: {  	s31 =	ssub.s32 s12, s13;
	v63 =	vand.u32 $0xFFFFE000, v62;
	v3 =	vor.u32 v3, v1;
	v2 =	vor.u32 v4, v2  }
0x14: {  	s6 =	simm.s32 $0x20;
	s10 =	sadd.s32 s11, s10;
	s11 =	smax.u32 s31, $0x1;
	[tilespmem:$0x80] =	vst v2;
	v2 =	vadd.s32 v63, v3  }
0x15: {  	s7 =	simm.s32 $0x80;
	s8 =	simm.s32 $0x100;
	p0 =	sne.s32 s11, $0x1;
	[tilespmem:$0x90] =	vst v2  }
0x16: {  	[tilespmem:s8], [sflag:$0x1] =	stream.indirect.gather [hbm4b:s2+s6], $0x1, s7, s6, $0xb8;
	[tilespmem:$0x180] =	vst v63  }
.Ltmp0:
0x17: {  	s9 =	simm.s32 $0x1;
	(pc) =	sbr.rel @!p0 .LBB2_2-.Ltmp0, $4  }
0x18: {  	_ =	swait.ge [sflag:s9], $0x20  }
0x19: {  	[sflag:s9] =	ssyncset.done $0x0  }
0x1a: {  	s10 =	sadd.s32 $0x800, s10;
	s11 =	sadd.s32 $0xFFFFFFFF, s11;
	[sflag:s9] =	ssyncadd.s32 $0xFFFFFFE0  }
0x1b: {  	[hbm4b:s10+s3] =	stream.linear.scatter [tilespmem:s8], [sflag:$0x2], $0x20, $0x38;
	[tilespmem:$0x180] =	vst v63  }
.LBB2_1:
0x1c: {  	p0 =	sne.s32 s11, $0x1;
	s11 =	sadd.s32 $0xFFFFFFFF, s11;
	_ =	swait.ge [sflag:s4], $0x20  }
0x1d: {  	[sflag:s4] =	ssyncset.done $0x0  }
0x1e: {  	[sflag:s4] =	ssyncadd.s32 $0xFFFFFFE0  }
0x1f: {  	[tilespmem:s3], [sflag:$0x2] =	stream.linear.gather [hbm4b:s5+s3], $0x20, $0x38;
	[tilespmem:$0x180] =	vst v63  }
0x20: {  	_ =	swait.ge [sflag:s4], $0x20  }
0x21: {  	[sflag:s4] =	ssyncset.done $0x0  }
0x22: {  	[sflag:s4] =	ssyncadd.s32 $0xFFFFFFE0  }
0x23: {  	v2 =	vld [tilespmem:$0x0]  }
0x24: {  	v3 =	vld [tilespmem:$0x10];
	_ =	sdelay $0x3  }
0x25: {  	v4 =	vshll.u32 v2, $0xA;
	v2 =	vshll.u32 v2, $0x7  }
0x26: {  	v2 =	vand.u32 $0x380, v2;
	v5 =	vshll.u32 v3, $0xA;
	v3 =	vshll.u32 v3, $0x7  }
0x27: {  	v4 =	vand.u32 $0xFFFFE000, v4;
	v2 =	vor.u32 v2, v0;
	v3 =	vand.u32 $0x380, v3  }
0x28: {  	v2 =	vor.u32 v4, v2;
	v4 =	vand.u32 $0xFFFFE000, v5;
	v3 =	vor.u32 v3, v1  }
0x29: {  	[tilespmem:$0x80] =	vst v2;
	v2 =	vadd.s32 v4, v3  }
0x2a: {  	[tilespmem:$0x90] =	vst v2  }
0x2b: {  	[tilespmem:s8], [sflag:$0x1] =	stream.indirect.gather [hbm4b:s2+s6], $0x1, s7, s6, $0xb8;
	[tilespmem:$0x180] =	vst v63  }
.Ltmp1:
0x2c: {  	_ = 	snop;
	(pc) =	sbr.rel @p0 .LBB2_1-.Ltmp1, $4  }
0x2d: {  	_ =	swait.ge [sflag:s9], $0x20  }
0x2e: {  	[sflag:s9] =	ssyncset.done $0x0  }
0x2f: {  	[sflag:s9] =	ssyncadd.s32 $0xFFFFFFE0  }
0x30: {  	[hbm4b:s10+s3] =	stream.linear.scatter [tilespmem:s8], [sflag:$0x2], $0x20, $0x38;
	[tilespmem:$0x180] =	vst v63  }
.LBB2_2:
0x31: {  	_ =	swait.ge [sflag:s4], $0x20  }
0x32: {  	[sflag:s4] =	ssyncset.done $0x0  }
0x33: {  	[sflag:s4] =	ssyncadd.s32 $0xFFFFFFE0  }
0x34: {  	_ =	sfence.sel $0x180000  }
0x35: {  	[bflag:$0x0] =	sbarrier.arrive $0xFFFF  }
0x36: {  	p0 =	sne.s32 s0, $0x0;
	_ =	strace $0x90000047  }
0x37: {  	s0 =	sadd.s32 @!p0 $0x100000, s1;
	[bflag:$0x2] =	sbarrier.arrive $0xFFFF  }
0x38: {  	[sflag:s0] =	ssyncadd.tile.s32 @!p0 $0x1;
	_ =	shalt  }
.Lfunc_end2:
_tile_overlayer_lowered:
.L_overlay_start_2:
0x39: {  	(tag) =	ssettag $0x2  }
0x3a: {  	s0 =	rddreg [dreg:$0x0];
	s2 =	stileid.u32  }
0x3b: {  	s1 =	rddreg [dreg:$0x1];
	p0 =	sne.s32 s2, $0x0  }
0x3c: {  	s3 =	rddreg [dreg:$0x2];
	[bflag:$0x3] =	sbarrier.arrive $0xFFFF;
	s2 =	simm.s32 @!p0 $0x1C02  }
0x3d: {  	[timem:s3], [sflag:s2] =	dma.local @!p0 [hbm:s0], s1  }
0x3e: {  	s0 =	simm.s32 @!p0 $0x2  }
0x3f: {  	_ =	swait.ge @!p0 [sflag:s0], s1  }
0x40: {  	s1 =	ssub.s32 @!p0 $0x0, s1;
	[sflag:s0] =	ssyncset.done @!p0 $0x0  }
0x41: {  	[sflag:s0] =	ssyncadd.s32 @!p0 s1  }
0x42: {  	[bflag:$0x3] =	sbarrier.arrive $0xFFFF  }
0x43: {  	_ =	shalt  }

</sc_bundles>
